<compile_context>
chip_gen: v7x
topology: tpu7x:2x2x1
jax: 0.10.2.dev20260603
libtpu: 0.0.44.dev20260713+nightly
codegen_flags: <defaults>
</compile_context>

<pallas_src>
import functools

import jax
import jax.numpy as jnp
from jax import lax
from jax.experimental import pallas as pl
from jax.experimental.pallas import tpu as pltpu
from jax.experimental.pallas import tpu_sc as plsc

_ATT_NORM = 4.0
_EPS = 1e-12
_VBITS = 17
_VMASK = (1 << _VBITS) - 1
_DROP = 31 - _VBITS


def _group_matrix(H, D):
    row = lax.broadcasted_iota(jnp.int32, (H, H * D), 0)
    col = lax.broadcasted_iota(jnp.int32, (H, H * D), 1)
    return jnp.where(col // D == row, 1.0, 0.0).astype(jnp.float32)


def _cummax_keys(key, T, reverse):
    d = 1
    while d < T:
        if reverse:
            shifted = jnp.concatenate(
                [key[:, d:], jnp.zeros(key.shape[:1] + (d,), jnp.int32)],
                axis=1)
        else:
            shifted = jnp.concatenate(
                [jnp.zeros(key.shape[:1] + (d,), jnp.int32), key[:, : T - d]],
                axis=1)
        key = jnp.maximum(key, shifted)
        d *= 2
    return key


def _decode(key):
    return lax.bitcast_convert_type((key & _VMASK) << _DROP, jnp.float32)


def _fwd_body(T, H, D, x_ref, idx_ref, norm_ref, fwd_ref, keyb_ref,
              ckey_ref):
    i = pl.program_id(0)

    @pl.when(i == 0)
    def _init():
        ckey_ref[...] = jnp.zeros((H, 1), jnp.int32)

    xb = x_ref[...]
    xsq = xb * xb
    n = lax.dot_general(
        _group_matrix(H, D), xsq,
        dimension_numbers=(((1,), (1,)), ((), ())),
        precision=lax.Precision.DEFAULT,
        preferred_element_type=jnp.float32)
    idx = idx_ref[...].reshape(1, T)
    nbits = lax.bitcast_convert_type(n, jnp.int32)
    key = (idx << _VBITS) | (nbits >> _DROP)
    key = _cummax_keys(key, T, reverse=False)
    key = jnp.maximum(key, ckey_ref[...])
    norm_ref[...] = n
    fwd_ref[...] = _decode(key)
    keyb_ref[...] = ((16383 - idx) << _VBITS) | (nbits >> _DROP)
    ckey_ref[...] = key[:, T - 1:T]


def _fin_body(T, H, D, E, norm_ref, fwd_ref, kmax_ref, cmax_ref, alpha_ref,
              att_ref, out_ref):
    i = pl.program_id(0)
    n = norm_ref[...]
    NCH = 8
    kb = kmax_ref[...]
    m3 = cmax_ref[...].reshape(H, NCH, 16)
    col = i * T + lax.broadcasted_iota(jnp.int32, (1, T), 1)
    cidx = col // (E // NCH)
    kr = jnp.zeros((H, T), jnp.int32)
    for cp in range(NCH):
        mc = m3[:, cp, 0:1]
        kr = jnp.where(cp > cidx, jnp.maximum(kr, mc), kr)
    key = jnp.maximum(kb, kr)
    seg = jnp.maximum(_decode(key), fwd_ref[...])
    a = att_ref[...]
    s = jnp.sum(a * a, axis=1, keepdims=True)
    natt = _ATT_NORM * jnp.sqrt(s[:H] + s[H:])
    out_ref[...] = alpha_ref[...] / (natt * jnp.sqrt(seg + n) + _EPS)


def _sc_bwd_body(E, H, keyb_hbm, kmax_hbm, cmax_hbm, k_v, pub_v):
    NWK = 32
    CH = (H * E) // NWK
    NV = CH // 16
    wid = lax.axis_index("s") * 2 + lax.axis_index("c")
    base = wid * CH

    iota16 = lax.iota(jnp.int32, 16)

    def _g16(v, idxvec):
        return lax.gather(
            v, idxvec.reshape(16, 1),
            lax.GatherDimensionNumbers(offset_dims=(),
                                       collapsed_slice_dims=(0,),
                                       start_index_map=(0,)),
            (1,), mode=lax.GatherScatterMode.PROMISE_IN_BOUNDS)

    def _suffix_max(v):
        for d in (1, 2, 4, 8):
            v = jnp.maximum(v, _g16(v, jnp.minimum(iota16 + d, 15)))
        return v

    pltpu.sync_copy(keyb_hbm.at[pl.ds(base, CH)], k_v)

    def bwd_step(j, carry):
        v = NV - 1 - j
        sl = pl.ds(v * 16, 16)
        c = jnp.maximum(_suffix_max(k_v[sl]), carry)
        k_v[sl] = c
        return _g16(c, jnp.zeros((16,), jnp.int32))

    carry = lax.fori_loop(0, NV, bwd_step, jnp.zeros((16,), jnp.int32))

    pub_v[...] = carry
    pltpu.sync_copy(k_v, kmax_hbm.at[pl.ds(base, CH)])
    pltpu.sync_copy(pub_v, cmax_hbm.at[pl.ds(wid * 16, 16)])


def _sc_bwd(E, H, keyb):
    CH = (H * E) // 32
    body = functools.partial(_sc_bwd_body, E, H)
    fn = pl.kernel(
        body,
        mesh=plsc.VectorSubcoreMesh(
            core_axis_name="c", subcore_axis_name="s", num_cores=2),
        out_type=[
            jax.ShapeDtypeStruct((H * E,), jnp.int32),
            jax.ShapeDtypeStruct((512,), jnp.int32),
        ],
        scratch_types=[
            pltpu.VMEM((CH,), jnp.int32),
            pltpu.VMEM((16,), jnp.int32),
        ],
    )
    kmax, cmax = fn(keyb.reshape(-1))
    return kmax.reshape(H, E), cmax.reshape(32, 16)


def kernel(x, att, alpha, index):
    E, H, D = x.shape
    T = 2560 if E % 2560 == 0 else min(E, 8)
    NT = E // T

    x2 = x.reshape(E, H * D)
    idx3 = index.astype(jnp.int32).reshape(NT, 1, T)
    alphaT = alpha.reshape(E, H).T
    att2 = att.reshape(2 * H, D)

    fwd_fn = lambda *refs: _fwd_body(T, H, D, *refs)
    fin_fn = lambda *refs: _fin_body(T, H, D, E, *refs)

    norm, fwd, keyb = pl.pallas_call(
        fwd_fn,
        grid=(NT,),
        in_specs=[
            pl.BlockSpec((T, H * D), lambda i: (i, 0)),
            pl.BlockSpec((1, 1, T), lambda i: (i, 0, 0)),
        ],
        out_specs=[
            pl.BlockSpec((H, T), lambda i: (0, i)),
            pl.BlockSpec((H, T), lambda i: (0, i)),
            pl.BlockSpec((H, T), lambda i: (0, i)),
        ],
        out_shape=[
            jax.ShapeDtypeStruct((H, E), jnp.float32),
            jax.ShapeDtypeStruct((H, E), jnp.float32),
            jax.ShapeDtypeStruct((H, E), jnp.int32),
        ],
        scratch_shapes=[
            pltpu.VMEM((H, 1), jnp.int32),
        ],
    )(x2, idx3)

    kmax, cmax = _sc_bwd(E, H, keyb)

    outT = pl.pallas_call(
        fin_fn,
        grid=(NT,),
        in_specs=[
            pl.BlockSpec((H, T), lambda i: (0, i)),
            pl.BlockSpec((H, T), lambda i: (0, i)),
            pl.BlockSpec((H, T), lambda i: (0, i)),
            pl.BlockSpec((32, 16), lambda i: (0, 0)),
            pl.BlockSpec((H, T), lambda i: (0, i)),
            pl.BlockSpec((2 * H, D), lambda i: (0, 0)),
        ],
        out_specs=pl.BlockSpec((H, T), lambda i: (0, i)),
        out_shape=jax.ShapeDtypeStruct((H, E), jnp.float32),
    )(norm, fwd, kmax, cmax, alphaT, att2)

    return outT.T.reshape(E, H, 1)

# --- scband reference (transcript-rebuilt; emitter-appended) ---
"""Pipeline reference for scband-lipschitz-norm-57174604644688 (READ-ONLY COPY).

The authoritative reference and input builder live on the scoring server;
editing this copy changes nothing except your own understanding.
"""

import jax, jax.numpy as jnp
import numpy as np

N = 10000
E = 320000
H = 4
D = 32
ATT_NORM = 4
EPS = 1e-12

def setup_inputs(seed: int = 0):
    key = jax.random.key(seed)
    k1, k2, k3, k4 = jax.random.split(key, 4)
    x = jax.random.normal(k1, (E, H, D), dtype=jnp.float32)
    att = jax.random.normal(k2, (2, 1, H, D), dtype=jnp.float32)
    alpha = jax.random.normal(k3, (E, H, 1), dtype=jnp.float32)
    index = jnp.sort(jax.random.randint(k4, (E,), 0, N, dtype=jnp.int64))
    return {"x": x, "att": att, "alpha": alpha, "index": index}

def reference(x, att, alpha, index):
    # att is a stacked tensor [2, 1, H, D]; unpack like `att_l, att_r = att` in torch
    att_l, att_r = att[0], att[1]
    # norm_x = ||x||^2 along last dim, keepdim -> [E, H, 1]
    norm_x = jnp.linalg.norm(x, axis=-1, keepdims=True) ** 2
    # scatter-max of per-edge squared norms into dst nodes -> [N, H, 1]
    max_norm = jax.ops.segment_max(norm_x, index, num_segments=N)
    # gather back per edge and combine: sqrt(max_norm[index] + norm_x)
    max_norm = jnp.sqrt(jnp.take(max_norm, index, axis=0) + norm_x)
    # attention parameter norm (scale_individually branch; both branches identical in source)
    norm_att = ATT_NORM * jnp.linalg.norm(jnp.concatenate((att_l, att_r), axis=-1), axis=-1, keepdims=True)
    alpha = alpha / (norm_att * max_norm + EPS)
    return alpha

if __name__ == "__main__":
    import jax
    _d = setup_inputs()
    print(jax.jit(kernel)(*tuple(_d.values())))

</pallas_src>

<mosaic_0001>
#map = affine_map<(d0, d1) -> (0)>
module attributes {stable_mosaic.version = 14 : i64} {
  func.func @_sc_bwd_body(%arg0: i32, %arg1: i32, %arg2: memref<1280000xi32, #tpu.memory_space<hbm>>, %arg3: memref<1280000xi32, #tpu.memory_space<hbm>>, %arg4: memref<512xi32, #tpu.memory_space<hbm>>, %arg5: memref<40000xi32, #tpu.memory_space<vmem>>, %arg6: memref<16xi32, #tpu.memory_space<vmem>>) attributes {dimension_semantics = [#tpu.dimension_semantics<core_parallel>, #tpu.dimension_semantics<subcore_parallel>], iteration_bounds = array<i64: 2, 16>, scalar_prefetch = 0 : i64, scratch_operands = 2 : i64, tpu.core_type = #tpu.core_type<sc_vector_subcore>, window_params = [{transform_indices = #map}, {transform_indices = #map}, {transform_indices = #map}]} {
    %mul3A = arith.constant 2 : i32
    %mul3A_0 = arith.muli %arg1, %mul3A : i32
    %add3A = arith.addi %mul3A_0, %arg0 : i32
    %mul3A_1 = arith.constant 40000 : i32
    %mul3A_2 = arith.muli %add3A, %mul3A_1 : i32
    %iota3A = tpu.iota {dimensions = array<i32: 0>} : vector<16xi32>
    "tpu.region"() ({
      %run_scoped3A = tpu.sem_alloc : memref<!tpu.dma_semaphore, #tpu.memory_space<semaphore_mem>>
      %dma_start3A = tpu.memref_slice %arg2[%mul3A_2] : memref<1280000xi32, #tpu.memory_space<hbm>> -> memref<40000xi32, #tpu.memory_space<hbm>>
      %dma_start3A_14 = tpu.memref_slice %arg2[%mul3A_2] : memref<1280000xi32, #tpu.memory_space<hbm>> -> memref<40000xi32, #tpu.memory_space<hbm>>
      tpu.enqueue_dma source(%dma_start3A_14 : memref<40000xi32, #tpu.memory_space<hbm>>) target(%arg5 : memref<40000xi32, #tpu.memory_space<vmem>>) target_semaphore(%run_scoped3A : memref<!tpu.dma_semaphore, #tpu.memory_space<semaphore_mem>>)
      %dma_wait3A = tpu.memref_slice %arg2[%mul3A_2] : memref<1280000xi32, #tpu.memory_space<hbm>> -> memref<40000xi32, #tpu.memory_space<hbm>>
      %dma_wait3A_15 = tpu.memref_slice %arg2[%mul3A_2] : memref<1280000xi32, #tpu.memory_space<hbm>> -> memref<40000xi32, #tpu.memory_space<hbm>>
      tpu.wait_dma2 semaphore(%run_scoped3A : memref<!tpu.dma_semaphore, #tpu.memory_space<semaphore_mem>>) src(%dma_wait3A_15 : memref<40000xi32, #tpu.memory_space<hbm>>) dst(%arg5 : memref<40000xi32, #tpu.memory_space<vmem>>)
      tpu.yield
    }) : () -> ()
    %broadcast_in_dim3A = arith.constant 0 : i32
    %broadcast_in_dim3A_3 = vector.broadcast %broadcast_in_dim3A : i32 to vector<16xi32>
    %scan3A = arith.constant 0 : i32
    %scan3A_4 = arith.constant 2500 : i32
    %scan3A_5 = arith.addi %scan3A, %scan3A_4 : i32
    %scan3A_6 = arith.constant 1 : i32
    %scan3A_7 = scf.for %scan3A_14 = %scan3A to %scan3A_5 step %scan3A_6 iter_args(%scan3A_15 = %broadcast_in_dim3A_3) -> (vector<16xi32>)  : i32 {
      %sub3A = arith.constant 2499 : i32
      %sub3A_16 = arith.subi %sub3A, %scan3A_14 : i32
      %mul3A_17 = arith.constant 16 : i32
      %mul3A_18 = arith.muli %sub3A_16, %mul3A_17 : i32
      %get3A = arith.index_cast %mul3A_18 : i32 to index
      %get3A_19 = tpu.vector_load %arg5[%get3A] {strides = array<i32>} : memref<40000xi32, #tpu.memory_space<vmem>>, vector<16xi32>,
      %get3A_20 = vector.shape_cast %get3A_19 : vector<16xi32> to vector<16xi32>
      %add3A_21 = arith.constant 1 : i32
      %add3A_22 = vector.broadcast %add3A_21 : i32 to vector<16xi32>
      %add3A_23 = arith.addi %iota3A, %add3A_22 : vector<16xi32>
      %min3A = arith.constant 15 : i32
      %min3A_24 = vector.broadcast %min3A : i32 to vector<16xi32>
      %min3A_25 = arith.minsi %add3A_23, %min3A_24 : vector<16xi32>
      %reshape3A = vector.shape_cast %min3A_25 : vector<16xi32> to vector<16x1xi32>
      %gather3A = vector.shape_cast %reshape3A : vector<16x1xi32> to vector<16xi32>
      %gather3A_26 = tpu.dynamic_gather %get3A_20[%gather3A] in [0] : vector<16xi32>, vector<16xi32> -> vector<16xi32>
      %max3A = arith.maxsi %get3A_20, %gather3A_26 : vector<16xi32>
      %add3A_27 = arith.constant 2 : i32
      %add3A_28 = vector.broadcast %add3A_27 : i32 to vector<16xi32>
      %add3A_29 = arith.addi %iota3A, %add3A_28 : vector<16xi32>
      %min3A_30 = arith.constant 15 : i32
      %min3A_31 = vector.broadcast %min3A_30 : i32 to vector<16xi32>
      %min3A_32 = arith.minsi %add3A_29, %min3A_31 : vector<16xi32>
      %reshape3A_33 = vector.shape_cast %min3A_32 : vector<16xi32> to vector<16x1xi32>
      %gather3A_34 = vector.shape_cast %reshape3A_33 : vector<16x1xi32> to vector<16xi32>
      %gather3A_35 = tpu.dynamic_gather %max3A[%gather3A_34] in [0] : vector<16xi32>, vector<16xi32> -> vector<16xi32>
      %max3A_36 = arith.maxsi %max3A, %gather3A_35 : vector<16xi32>
      %add3A_37 = arith.constant 4 : i32
      %add3A_38 = vector.broadcast %add3A_37 : i32 to vector<16xi32>
      %add3A_39 = arith.addi %iota3A, %add3A_38 : vector<16xi32>
      %min3A_40 = arith.constant 15 : i32
      %min3A_41 = vector.broadcast %min3A_40 : i32 to vector<16xi32>
      %min3A_42 = arith.minsi %add3A_39, %min3A_41 : vector<16xi32>
      %reshape3A_43 = vector.shape_cast %min3A_42 : vector<16xi32> to vector<16x1xi32>
      %gather3A_44 = vector.shape_cast %reshape3A_43 : vector<16x1xi32> to vector<16xi32>
      %gather3A_45 = tpu.dynamic_gather %max3A_36[%gather3A_44] in [0] : vector<16xi32>, vector<16xi32> -> vector<16xi32>
      %max3A_46 = arith.maxsi %max3A_36, %gather3A_45 : vector<16xi32>
      %add3A_47 = arith.constant 8 : i32
      %add3A_48 = vector.broadcast %add3A_47 : i32 to vector<16xi32>
      %add3A_49 = arith.addi %iota3A, %add3A_48 : vector<16xi32>
      %min3A_50 = arith.constant 15 : i32
      %min3A_51 = vector.broadcast %min3A_50 : i32 to vector<16xi32>
      %min3A_52 = arith.minsi %add3A_49, %min3A_51 : vector<16xi32>
      %reshape3A_53 = vector.shape_cast %min3A_52 : vector<16xi32> to vector<16x1xi32>
      %gather3A_54 = vector.shape_cast %reshape3A_53 : vector<16x1xi32> to vector<16xi32>
      %gather3A_55 = tpu.dynamic_gather %max3A_46[%gather3A_54] in [0] : vector<16xi32>, vector<16xi32> -> vector<16xi32>
      %max3A_56 = arith.maxsi %max3A_46, %gather3A_55 : vector<16xi32>
      %max3A_57 = arith.maxsi %max3A_56, %scan3A_15 : vector<16xi32>
      %swap3A_58 = arith.index_cast %mul3A_18 : i32 to index
      %swap3A_59 = tpu.vector_load %arg5[%swap3A_58] {strides = array<i32>} : memref<40000xi32, #tpu.memory_space<vmem>>, vector<16xi32>,
      %swap3A_60 = vector.shape_cast %swap3A_59 : vector<16xi32> to vector<16xi32>
      %swap3A_61 = vector.shape_cast %max3A_57 : vector<16xi32> to vector<16xi32>
      tpu.vector_store %arg5[%swap3A_58], %swap3A_61 {strides = array<i32>} : memref<40000xi32, #tpu.memory_space<vmem>>, vector<16xi32>,
      %broadcast_in_dim3A_62 = arith.constant 0 : i32
      %broadcast_in_dim3A_63 = vector.broadcast %broadcast_in_dim3A_62 : i32 to vector<16xi32>
      %reshape3A_64 = vector.shape_cast %broadcast_in_dim3A_63 : vector<16xi32> to vector<16x1xi32>
      %gather3A_65 = vector.shape_cast %reshape3A_64 : vector<16x1xi32> to vector<16xi32>
      %gather3A_66 = tpu.dynamic_gather %max3A_57[%gather3A_65] in [0] : vector<16xi32>, vector<16xi32> -> vector<16xi32>
      scf.yield %gather3A_66 : vector<16xi32>
    }
    %scan3A_8 = arith.constant 2500 : i32
    %swap3A = arith.constant 0 : index
    %swap3A_9 = tpu.vector_load %arg6[%swap3A] {strides = array<i32>} : memref<16xi32, #tpu.memory_space<vmem>>, vector<16xi32>,
    %swap3A_10 = vector.shape_cast %swap3A_9 : vector<16xi32> to vector<16xi32>
    %swap3A_11 = vector.shape_cast %scan3A_7 : vector<16xi32> to vector<16xi32>
    tpu.vector_store %arg6[%swap3A], %swap3A_11 {strides = array<i32>} : memref<16xi32, #tpu.memory_space<vmem>>, vector<16xi32>,
    "tpu.region"() ({
      %run_scoped3A = tpu.sem_alloc : memref<!tpu.dma_semaphore, #tpu.memory_space<semaphore_mem>>
      %dma_start3A = tpu.memref_slice %arg3[%mul3A_2] : memref<1280000xi32, #tpu.memory_space<hbm>> -> memref<40000xi32, #tpu.memory_space<hbm>>
      %dma_start3A_14 = tpu.memref_slice %arg3[%mul3A_2] : memref<1280000xi32, #tpu.memory_space<hbm>> -> memref<40000xi32, #tpu.memory_space<hbm>>
      tpu.enqueue_dma source(%arg5 : memref<40000xi32, #tpu.memory_space<vmem>>) target(%dma_start3A_14 : memref<40000xi32, #tpu.memory_space<hbm>>) target_semaphore(%run_scoped3A : memref<!tpu.dma_semaphore, #tpu.memory_space<semaphore_mem>>)
      %dma_wait3A = tpu.memref_slice %arg3[%mul3A_2] : memref<1280000xi32, #tpu.memory_space<hbm>> -> memref<40000xi32, #tpu.memory_space<hbm>>
      %dma_wait3A_15 = tpu.memref_slice %arg3[%mul3A_2] : memref<1280000xi32, #tpu.memory_space<hbm>> -> memref<40000xi32, #tpu.memory_space<hbm>>
      tpu.wait_dma2 semaphore(%run_scoped3A : memref<!tpu.dma_semaphore, #tpu.memory_space<semaphore_mem>>) src(%arg5 : memref<40000xi32, #tpu.memory_space<vmem>>) dst(%dma_wait3A_15 : memref<40000xi32, #tpu.memory_space<hbm>>)
      tpu.yield
    }) : () -> ()
    %mul3A_12 = arith.constant 16 : i32
    %mul3A_13 = arith.muli %add3A, %mul3A_12 : i32
    "tpu.region"() ({
      %run_scoped3A = tpu.sem_alloc : memref<!tpu.dma_semaphore, #tpu.memory_space<semaphore_mem>>
      %dma_start3A = tpu.memref_slice %arg4[%mul3A_13] : memref<512xi32, #tpu.memory_space<hbm>> -> memref<16xi32, #tpu.memory_space<hbm>>
      %dma_start3A_14 = tpu.memref_slice %arg4[%mul3A_13] : memref<512xi32, #tpu.memory_space<hbm>> -> memref<16xi32, #tpu.memory_space<hbm>>
      tpu.enqueue_dma source(%arg6 : memref<16xi32, #tpu.memory_space<vmem>>) target(%dma_start3A_14 : memref<16xi32, #tpu.memory_space<hbm>>) target_semaphore(%run_scoped3A : memref<!tpu.dma_semaphore, #tpu.memory_space<semaphore_mem>>)
      %dma_wait3A = tpu.memref_slice %arg4[%mul3A_13] : memref<512xi32, #tpu.memory_space<hbm>> -> memref<16xi32, #tpu.memory_space<hbm>>
      %dma_wait3A_15 = tpu.memref_slice %arg4[%mul3A_13] : memref<512xi32, #tpu.memory_space<hbm>> -> memref<16xi32, #tpu.memory_space<hbm>>
      tpu.wait_dma2 semaphore(%run_scoped3A : memref<!tpu.dma_semaphore, #tpu.memory_space<semaphore_mem>>) src(%arg6 : memref<16xi32, #tpu.memory_space<vmem>>) dst(%dma_wait3A_15 : memref<16xi32, #tpu.memory_space<hbm>>)
      tpu.yield
    }) : () -> ()
    return
  }
}

module attributes {stable_mosaic.version = 14 : i64} {
  func.func @_lambda_(%arg0: i32, %arg1: memref<2560x128xf32, #tpu.memory_space<vmem>>, %arg2: memref<1x1x2560xi32, #tpu.memory_space<vmem>>, %arg3: memref<4x2560xf32, #tpu.memory_space<vmem>>, %arg4: memref<4x2560xf32, #tpu.memory_space<vmem>>, %arg5: memref<4x2560xi32, #tpu.memory_space<vmem>>, %arg6: memref<4x1xi32, #tpu.memory_space<vmem>>) attributes {dimension_semantics = [#tpu.dimension_semantics<arbitrary>], iteration_bounds = array<i64: 125>, scalar_prefetch = 0 : i64, scratch_operands = 1 : i64, tpu.core_type = #tpu.core_type<tc>, window_params = [{transform_indices = @transform_0, window_bounds = array<i64: 2560, 128>}, {transform_indices = @transform_1, window_bounds = array<i64: 1, 1, 2560>}, {transform_indices = @transform_2, window_bounds = array<i64: 4, 2560>}, {transform_indices = @transform_3, window_bounds = array<i64: 4, 2560>}, {transform_indices = @transform_4, window_bounds = array<i64: 4, 2560>}]} {
    %eq3A = arith.constant 0 : i32
    %eq3A_0 = arith.cmpi eq, %arg0, %eq3A : i32
    %convert_element_type3A = arith.extui %eq3A_0 : i1 to i32
    %cond3A = arith.constant 0 : i32
    %cond3A_1 = arith.cmpi ne, %convert_element_type3A, %cond3A : i32
    scf.if %cond3A_1 {
      %broadcast_in_dim3A_135 = arith.constant 0 : i32
      %broadcast_in_dim3A_136 = vector.broadcast %broadcast_in_dim3A_135 : i32 to vector<4x1xi32>
      %swap3A_137 = arith.constant 0 : index
      %swap3A_138 = arith.constant 0 : index
      %swap3A_139 = vector.load %arg6[%swap3A_137, %swap3A_138] : memref<4x1xi32, #tpu.memory_space<vmem>>, vector<4x1xi32>
      tpu.vector_store %arg6[%swap3A_137, %swap3A_138], %broadcast_in_dim3A_136 {strides = array<i32>} : memref<4x1xi32, #tpu.memory_space<vmem>>, vector<4x1xi32>,
    } else {
    }
    %get3A = arith.constant 0 : index
    %get3A_2 = arith.constant 0 : index
    %get3A_3 = vector.load %arg1[%get3A, %get3A_2] : memref<2560x128xf32, #tpu.memory_space<vmem>>, vector<2560x128xf32>
    %mul3A = arith.mulf %get3A_3, %get3A_3 : vector<2560x128xf32>
    %iota3A = tpu.iota {dimensions = array<i32: 0>} : vector<4x128xi32>
    %iota3A_4 = tpu.iota {dimensions = array<i32: 1>} : vector<4x128xi32>
    %jit3A = arith.constant 32 : i32
    %div3A = vector.broadcast %jit3A : i32 to vector<4x128xi32>
    %div3A_5 = arith.divsi %iota3A_4, %div3A : vector<4x128xi32>
    %sign3A = arith.constant 0 : i32
    %sign3A_6 = vector.broadcast %sign3A : i32 to vector<4x128xi32>
    %sign3A_7 = arith.cmpi sgt, %iota3A_4, %sign3A_6 : vector<4x128xi32>
    %sign3A_8 = arith.extui %sign3A_7 : vector<4x128xi1> to vector<4x128xi32>
    %sign3A_9 = arith.constant 0 : i32
    %sign3A_10 = vector.broadcast %sign3A_9 : i32 to vector<4x128xi32>
    %sign3A_11 = arith.cmpi slt, %iota3A_4, %sign3A_10 : vector<4x128xi32>
    %sign3A_12 = arith.extui %sign3A_11 : vector<4x128xi1> to vector<4x128xi32>
    %sign3A_13 = arith.subi %sign3A_8, %sign3A_12 : vector<4x128xi32>
    %sign3A_14 = arith.constant 0 : i32
    %sign3A_15 = arith.cmpi sgt, %jit3A, %sign3A_14 : i32
    %sign3A_16 = arith.extui %sign3A_15 : i1 to i32
    %sign3A_17 = arith.constant 0 : i32
    %sign3A_18 = arith.cmpi slt, %jit3A, %sign3A_17 : i32
    %sign3A_19 = arith.extui %sign3A_18 : i1 to i32
    %sign3A_20 = arith.subi %sign3A_16, %sign3A_19 : i32
    %ne3A = vector.broadcast %sign3A_20 : i32 to vector<4x128xi32>
    %ne3A_21 = arith.cmpi ne, %sign3A_13, %ne3A : vector<4x128xi32>
    %rem3A = vector.broadcast %jit3A : i32 to vector<4x128xi32>
    %rem3A_22 = arith.remsi %iota3A_4, %rem3A : vector<4x128xi32>
    %ne3A_23 = arith.constant 0 : i32
    %ne3A_24 = vector.broadcast %ne3A_23 : i32 to vector<4x128xi32>
    %ne3A_25 = arith.cmpi ne, %rem3A_22, %ne3A_24 : vector<4x128xi32>
    %and3A = arith.andi %ne3A_21, %ne3A_25 : vector<4x128xi1>
    %sub3A = arith.constant 1 : i32
    %sub3A_26 = vector.broadcast %sub3A : i32 to vector<4x128xi32>
    %sub3A_27 = arith.subi %div3A_5, %sub3A_26 : vector<4x128xi32>
    %select_n3A = arith.select %and3A, %sub3A_27, %div3A_5 : vector<4x128xi1>, vector<4x128xi32>
    %eq3A_28 = arith.cmpi eq, %select_n3A, %iota3A : vector<4x128xi32>
    %jit3A_29 = arith.constant 1.000000e+00 : f32
    %jit3A_30 = arith.constant 0.000000e+00 : f32
    %broadcast_in_dim3A = vector.broadcast %jit3A_29 : f32 to vector<4x128xf32>
    %broadcast_in_dim3A_31 = vector.broadcast %jit3A_30 : f32 to vector<4x128xf32>
    %select_n3A_32 = arith.select %eq3A_28, %broadcast_in_dim3A, %broadcast_in_dim3A_31 : vector<4x128xi1>, vector<4x128xf32>
    %dot_general3A = arith.constant dense<0.000000e+00> : vector<4x2560xf32>
    %dot_general3A_33 = tpu.matmul %select_n3A_32, %mul3A, %dot_general3A {dimension_numbers = #tpu.dot_dimension_numbers<[1], [1], [0], [0], [0, 0, 1, 0], [], []>, transpose_lhs_hint = false} : vector<4x128xf32>, vector<2560x128xf32>, vector<4x2560xf32> -> vector<4x2560xf32>
    %get3A_34 = arith.constant 0 : index
    %get3A_35 = arith.constant 0 : index
    %get3A_36 = arith.constant 0 : index
    %get3A_37 = vector.load %arg2[%get3A_34, %get3A_35, %get3A_36] : memref<1x1x2560xi32, #tpu.memory_space<vmem>>, vector<1x1x2560xi32>
    %reshape3A = vector.shape_cast %get3A_37 : vector<1x1x2560xi32> to vector<1x2560xi32>
    %bitcast_convert_type3A = tpu.bitcast %dot_general3A_33 : vector<4x2560xf32> -> vector<4x2560xi32>
    %shift_left3A = arith.constant 17 : i32
    %shift_left3A_38 = vector.broadcast %shift_left3A : i32 to vector<1x2560xi32>
    %shift_left3A_39 = arith.shli %reshape3A, %shift_left3A_38 : vector<1x2560xi32>
    %shift_right_arithmetic3A = arith.constant 14 : i32
    %shift_right_arithmetic3A_40 = vector.broadcast %shift_right_arithmetic3A : i32 to vector<4x2560xi32>
    %shift_right_arithmetic3A_41 = arith.shrsi %bitcast_convert_type3A, %shift_right_arithmetic3A_40 : vector<4x2560xi32>
    %or3A = vector.broadcast %shift_left3A_39 : vector<1x2560xi32> to vector<4x2560xi32>
    %or3A_42 = arith.ori %or3A, %shift_right_arithmetic3A_41 : vector<4x2560xi32>
    %broadcast_in_dim3A_43 = arith.constant 0 : i32
    %broadcast_in_dim3A_44 = vector.broadcast %broadcast_in_dim3A_43 : i32 to vector<4x1xi32>
    %slice3A = vector.extract_strided_slice %or3A_42 {offsets = [0, 0], sizes = [4, 2559], strides = [1, 1]} : vector<4x2560xi32> to vector<4x2559xi32>
    %concatenate3A = tpu.concatenate %broadcast_in_dim3A_44, %slice3A in 1 : vector<4x1xi32>, vector<4x2559xi32> -> vector<4x2560xi32>
    %max3A = arith.maxsi %or3A_42, %concatenate3A : vector<4x2560xi32>
    %broadcast_in_dim3A_45 = arith.constant 0 : i32
    %broadcast_in_dim3A_46 = vector.broadcast %broadcast_in_dim3A_45 : i32 to vector<4x2xi32>
    %slice3A_47 = vector.extract_strided_slice %max3A {offsets = [0, 0], sizes = [4, 2558], strides = [1, 1]} : vector<4x2560xi32> to vector<4x2558xi32>
    %concatenate3A_48 = tpu.concatenate %broadcast_in_dim3A_46, %slice3A_47 in 1 : vector<4x2xi32>, vector<4x2558xi32> -> vector<4x2560xi32>
    %max3A_49 = arith.maxsi %max3A, %concatenate3A_48 : vector<4x2560xi32>
    %broadcast_in_dim3A_50 = arith.constant 0 : i32
    %broadcast_in_dim3A_51 = vector.broadcast %broadcast_in_dim3A_50 : i32 to vector<4x4xi32>
    %slice3A_52 = vector.extract_strided_slice %max3A_49 {offsets = [0, 0], sizes = [4, 2556], strides = [1, 1]} : vector<4x2560xi32> to vector<4x2556xi32>
    %concatenate3A_53 = tpu.concatenate %broadcast_in_dim3A_51, %slice3A_52 in 1 : vector<4x4xi32>, vector<4x2556xi32> -> vector<4x2560xi32>
    %max3A_54 = arith.maxsi %max3A_49, %concatenate3A_53 : vector<4x2560xi32>
    %broadcast_in_dim3A_55 = arith.constant 0 : i32
    %broadcast_in_dim3A_56 = vector.broadcast %broadcast_in_dim3A_55 : i32 to vector<4x8xi32>
    %slice3A_57 = vector.extract_strided_slice %max3A_54 {offsets = [0, 0], sizes = [4, 2552], strides = [1, 1]} : vector<4x2560xi32> to vector<4x2552xi32>
    %concatenate3A_58 = tpu.concatenate %broadcast_in_dim3A_56, %slice3A_57 in 1 : vector<4x8xi32>, vector<4x2552xi32> -> vector<4x2560xi32>
    %max3A_59 = arith.maxsi %max3A_54, %concatenate3A_58 : vector<4x2560xi32>
    %broadcast_in_dim3A_60 = arith.constant 0 : i32
    %broadcast_in_dim3A_61 = vector.broadcast %broadcast_in_dim3A_60 : i32 to vector<4x16xi32>
    %slice3A_62 = vector.extract_strided_slice %max3A_59 {offsets = [0, 0], sizes = [4, 2544], strides = [1, 1]} : vector<4x2560xi32> to vector<4x2544xi32>
    %concatenate3A_63 = tpu.concatenate %broadcast_in_dim3A_61, %slice3A_62 in 1 : vector<4x16xi32>, vector<4x2544xi32> -> vector<4x2560xi32>
    %max3A_64 = arith.maxsi %max3A_59, %concatenate3A_63 : vector<4x2560xi32>
    %broadcast_in_dim3A_65 = arith.constant 0 : i32
    %broadcast_in_dim3A_66 = vector.broadcast %broadcast_in_dim3A_65 : i32 to vector<4x32xi32>
    %slice3A_67 = vector.extract_strided_slice %max3A_64 {offsets = [0, 0], sizes = [4, 2528], strides = [1, 1]} : vector<4x2560xi32> to vector<4x2528xi32>
    %concatenate3A_68 = tpu.concatenate %broadcast_in_dim3A_66, %slice3A_67 in 1 : vector<4x32xi32>, vector<4x2528xi32> -> vector<4x2560xi32>
    %max3A_69 = arith.maxsi %max3A_64, %concatenate3A_68 : vector<4x2560xi32>
    %broadcast_in_dim3A_70 = arith.constant 0 : i32
    %broadcast_in_dim3A_71 = vector.broadcast %broadcast_in_dim3A_70 : i32 to vector<4x64xi32>
    %slice3A_72 = vector.extract_strided_slice %max3A_69 {offsets = [0, 0], sizes = [4, 2496], strides = [1, 1]} : vector<4x2560xi32> to vector<4x2496xi32>
    %concatenate3A_73 = tpu.concatenate %broadcast_in_dim3A_71, %slice3A_72 in 1 : vector<4x64xi32>, vector<4x2496xi32> -> vector<4x2560xi32>
    %max3A_74 = arith.maxsi %max3A_69, %concatenate3A_73 : vector<4x2560xi32>
    %broadcast_in_dim3A_75 = arith.constant 0 : i32
    %broadcast_in_dim3A_76 = vector.broadcast %broadcast_in_dim3A_75 : i32 to vector<4x128xi32>
    %slice3A_77 = vector.extract_strided_slice %max3A_74 {offsets = [0, 0], sizes = [4, 2432], strides = [1, 1]} : vector<4x2560xi32> to vector<4x2432xi32>
    %concatenate3A_78 = tpu.concatenate %broadcast_in_dim3A_76, %slice3A_77 in 1 : vector<4x128xi32>, vector<4x2432xi32> -> vector<4x2560xi32>
    %max3A_79 = arith.maxsi %max3A_74, %concatenate3A_78 : vector<4x2560xi32>
    %broadcast_in_dim3A_80 = arith.constant 0 : i32
    %broadcast_in_dim3A_81 = vector.broadcast %broadcast_in_dim3A_80 : i32 to vector<4x256xi32>
    %slice3A_82 = vector.extract_strided_slice %max3A_79 {offsets = [0, 0], sizes = [4, 2304], strides = [1, 1]} : vector<4x2560xi32> to vector<4x2304xi32>
    %concatenate3A_83 = tpu.concatenate %broadcast_in_dim3A_81, %slice3A_82 in 1 : vector<4x256xi32>, vector<4x2304xi32> -> vector<4x2560xi32>
    %max3A_84 = arith.maxsi %max3A_79, %concatenate3A_83 : vector<4x2560xi32>
    %broadcast_in_dim3A_85 = arith.constant 0 : i32
    %broadcast_in_dim3A_86 = vector.broadcast %broadcast_in_dim3A_85 : i32 to vector<4x512xi32>
    %slice3A_87 = vector.extract_strided_slice %max3A_84 {offsets = [0, 0], sizes = [4, 2048], strides = [1, 1]} : vector<4x2560xi32> to vector<4x2048xi32>
    %concatenate3A_88 = tpu.concatenate %broadcast_in_dim3A_86, %slice3A_87 in 1 : vector<4x512xi32>, vector<4x2048xi32> -> vector<4x2560xi32>
    %max3A_89 = arith.maxsi %max3A_84, %concatenate3A_88 : vector<4x2560xi32>
    %broadcast_in_dim3A_90 = arith.constant 0 : i32
    %broadcast_in_dim3A_91 = vector.broadcast %broadcast_in_dim3A_90 : i32 to vector<4x1024xi32>
    %slice3A_92 = vector.extract_strided_slice %max3A_89 {offsets = [0, 0], sizes = [4, 1536], strides = [1, 1]} : vector<4x2560xi32> to vector<4x1536xi32>
    %concatenate3A_93 = tpu.concatenate %broadcast_in_dim3A_91, %slice3A_92 in 1 : vector<4x1024xi32>, vector<4x1536xi32> -> vector<4x2560xi32>
    %max3A_94 = arith.maxsi %max3A_89, %concatenate3A_93 : vector<4x2560xi32>
    %broadcast_in_dim3A_95 = arith.constant 0 : i32
    %broadcast_in_dim3A_96 = vector.broadcast %broadcast_in_dim3A_95 : i32 to vector<4x2048xi32>
    %slice3A_97 = vector.extract_strided_slice %max3A_94 {offsets = [0, 0], sizes = [4, 512], strides = [1, 1]} : vector<4x2560xi32> to vector<4x512xi32>
    %concatenate3A_98 = tpu.concatenate %broadcast_in_dim3A_96, %slice3A_97 in 1 : vector<4x2048xi32>, vector<4x512xi32> -> vector<4x2560xi32>
    %max3A_99 = arith.maxsi %max3A_94, %concatenate3A_98 : vector<4x2560xi32>
    %get3A_100 = arith.constant 0 : index
    %get3A_101 = arith.constant 0 : index
    %get3A_102 = vector.load %arg6[%get3A_100, %get3A_101] : memref<4x1xi32, #tpu.memory_space<vmem>>, vector<4x1xi32>
    %max3A_103 = vector.broadcast %get3A_102 : vector<4x1xi32> to vector<4x2560xi32>
    %max3A_104 = arith.maxsi %max3A_99, %max3A_103 : vector<4x2560xi32>
    %swap3A = arith.constant 0 : index
    %swap3A_105 = arith.constant 0 : index
    %swap3A_106 = vector.load %arg3[%swap3A, %swap3A_105] : memref<4x2560xf32, #tpu.memory_space<vmem>>, vector<4x2560xf32>
    tpu.vector_store %arg3[%swap3A, %swap3A_105], %dot_general3A_33 {strides = array<i32>} : memref<4x2560xf32, #tpu.memory_space<vmem>>, vector<4x2560xf32>,
    %and3A_107 = arith.constant 131071 : i32
    %and3A_108 = vector.broadcast %and3A_107 : i32 to vector<4x2560xi32>
    %and3A_109 = arith.andi %max3A_104, %and3A_108 : vector<4x2560xi32>
    %shift_left3A_110 = arith.constant 14 : i32
    %shift_left3A_111 = vector.broadcast %shift_left3A_110 : i32 to vector<4x2560xi32>
    %shift_left3A_112 = arith.shli %and3A_109, %shift_left3A_111 : vector<4x2560xi32>
    %bitcast_convert_type3A_113 = tpu.bitcast %shift_left3A_112 : vector<4x2560xi32> -> vector<4x2560xf32>
    %swap3A_114 = arith.constant 0 : index
    %swap3A_115 = arith.constant 0 : index
    %swap3A_116 = vector.load %arg4[%swap3A_114, %swap3A_115] : memref<4x2560xf32, #tpu.memory_space<vmem>>, vector<4x2560xf32>
    tpu.vector_store %arg4[%swap3A_114, %swap3A_115], %bitcast_convert_type3A_113 {strides = array<i32>} : memref<4x2560xf32, #tpu.memory_space<vmem>>, vector<4x2560xf32>,
    %sub3A_117 = arith.constant 16383 : i32
    %sub3A_118 = vector.broadcast %sub3A_117 : i32 to vector<1x2560xi32>
    %sub3A_119 = arith.subi %sub3A_118, %reshape3A : vector<1x2560xi32>
    %shift_left3A_120 = arith.constant 17 : i32
    %shift_left3A_121 = vector.broadcast %shift_left3A_120 : i32 to vector<1x2560xi32>
    %shift_left3A_122 = arith.shli %sub3A_119, %shift_left3A_121 : vector<1x2560xi32>
    %shift_right_arithmetic3A_123 = arith.constant 14 : i32
    %shift_right_arithmetic3A_124 = vector.broadcast %shift_right_arithmetic3A_123 : i32 to vector<4x2560xi32>
    %shift_right_arithmetic3A_125 = arith.shrsi %bitcast_convert_type3A, %shift_right_arithmetic3A_124 : vector<4x2560xi32>
    %or3A_126 = vector.broadcast %shift_left3A_122 : vector<1x2560xi32> to vector<4x2560xi32>
    %or3A_127 = arith.ori %or3A_126, %shift_right_arithmetic3A_125 : vector<4x2560xi32>
    %swap3A_128 = arith.constant 0 : index
    %swap3A_129 = arith.constant 0 : index
    %swap3A_130 = vector.load %arg5[%swap3A_128, %swap3A_129] : memref<4x2560xi32, #tpu.memory_space<vmem>>, vector<4x2560xi32>
    tpu.vector_store %arg5[%swap3A_128, %swap3A_129], %or3A_127 {strides = array<i32>} : memref<4x2560xi32, #tpu.memory_space<vmem>>, vector<4x2560xi32>,
    %slice3A_131 = vector.extract_strided_slice %max3A_104 {offsets = [0, 2559], sizes = [4, 1], strides = [1, 1]} : vector<4x2560xi32> to vector<4x1xi32>
    %swap3A_132 = arith.constant 0 : index
    %swap3A_133 = arith.constant 0 : index
    %swap3A_134 = vector.load %arg6[%swap3A_132, %swap3A_133] : memref<4x1xi32, #tpu.memory_space<vmem>>, vector<4x1xi32>
    tpu.vector_store %arg6[%swap3A_132, %swap3A_133], %slice3A_131 {strides = array<i32>} : memref<4x1xi32, #tpu.memory_space<vmem>>, vector<4x1xi32>,
    return
  }
  func.func @transform_0(%arg0: i32) -> (i32, i32) {
    %c0_i32 = arith.constant 0 : i32
    %c0_i32_0 = arith.constant 0 : i32
    return %arg0, %c0_i32 : i32, i32
  }
  func.func @transform_1(%arg0: i32) -> (i32, i32, i32) {
    %c0_i32 = arith.constant 0 : i32
    %c0_i32_0 = arith.constant 0 : i32
    %c0_i32_1 = arith.constant 0 : i32
    return %arg0, %c0_i32, %c0_i32_0 : i32, i32, i32
  }
  func.func @transform_2(%arg0: i32) -> (i32, i32) {
    %c0_i32 = arith.constant 0 : i32
    %c0_i32_0 = arith.constant 0 : i32
    return %c0_i32, %arg0 : i32, i32
  }
  func.func @transform_3(%arg0: i32) -> (i32, i32) {
    %c0_i32 = arith.constant 0 : i32
    %c0_i32_0 = arith.constant 0 : i32
    return %c0_i32, %arg0 : i32, i32
  }
  func.func @transform_4(%arg0: i32) -> (i32, i32) {
    %c0_i32 = arith.constant 0 : i32
    %c0_i32_0 = arith.constant 0 : i32
    return %c0_i32, %arg0 : i32, i32
  }
}

module attributes {stable_mosaic.version = 14 : i64} {
  func.func @_lambda_(%arg0: i32, %arg1: memref<4x2560xf32, #tpu.memory_space<vmem>>, %arg2: memref<4x2560xf32, #tpu.memory_space<vmem>>, %arg3: memref<4x2560xi32, #tpu.memory_space<vmem>>, %arg4: memref<32x16xi32, #tpu.memory_space<vmem>>, %arg5: memref<4x2560xf32, #tpu.memory_space<vmem>>, %arg6: memref<8x32xf32, #tpu.memory_space<vmem>>, %arg7: memref<4x2560xf32, #tpu.memory_space<vmem>>) attributes {dimension_semantics = [#tpu.dimension_semantics<arbitrary>], iteration_bounds = array<i64: 125>, scalar_prefetch = 0 : i64, scratch_operands = 0 : i64, tpu.core_type = #tpu.core_type<tc>, window_params = [{transform_indices = @transform_0, window_bounds = array<i64: 4, 2560>}, {transform_indices = @transform_1, window_bounds = array<i64: 4, 2560>}, {transform_indices = @transform_2, window_bounds = array<i64: 4, 2560>}, {pipeline_mode = #tpu.pipeline_mode<synchronous>, transform_indices = @transform_3, window_bounds = array<i64: 32, 16>}, {transform_indices = @transform_4, window_bounds = array<i64: 4, 2560>}, {pipeline_mode = #tpu.pipeline_mode<synchronous>, transform_indices = @transform_5, window_bounds = array<i64: 8, 32>}, {transform_indices = @transform_6, window_bounds = array<i64: 4, 2560>}]} {
    %get3A = arith.constant 0 : index
    %get3A_0 = arith.constant 0 : index
    %get3A_1 = vector.load %arg1[%get3A, %get3A_0] : memref<4x2560xf32, #tpu.memory_space<vmem>>, vector<4x2560xf32>
    %get3A_2 = arith.constant 0 : index
    %get3A_3 = arith.constant 0 : index
    %get3A_4 = vector.load %arg3[%get3A_2, %get3A_3] : memref<4x2560xi32, #tpu.memory_space<vmem>>, vector<4x2560xi32>
    %get3A_5 = arith.constant 0 : index
    %get3A_6 = arith.constant 0 : index
    %get3A_7 = vector.load %arg4[%get3A_5, %get3A_6] : memref<32x16xi32, #tpu.memory_space<vmem>>, vector<32x16xi32>
    %reshape3A = vector.shape_cast %get3A_7 : vector<32x16xi32> to vector<4x8x16xi32>
    %mul3A = arith.constant 2560 : i32
    %mul3A_8 = arith.muli %arg0, %mul3A : i32
    %iota3A = tpu.iota {dimensions = array<i32: 1>} : vector<1x2560xi32>
    %add3A = vector.broadcast %mul3A_8 : i32 to vector<1x2560xi32>
    %add3A_9 = arith.addi %add3A, %iota3A : vector<1x2560xi32>
    %jit3A = arith.constant 40000 : i32
    %div3A = vector.broadcast %jit3A : i32 to vector<1x2560xi32>
    %div3A_10 = arith.divsi %add3A_9, %div3A : vector<1x2560xi32>
    %sign3A = arith.constant 0 : i32
    %sign3A_11 = vector.broadcast %sign3A : i32 to vector<1x2560xi32>
    %sign3A_12 = arith.cmpi sgt, %add3A_9, %sign3A_11 : vector<1x2560xi32>
    %sign3A_13 = arith.extui %sign3A_12 : vector<1x2560xi1> to vector<1x2560xi32>
    %sign3A_14 = arith.constant 0 : i32
    %sign3A_15 = vector.broadcast %sign3A_14 : i32 to vector<1x2560xi32>
    %sign3A_16 = arith.cmpi slt, %add3A_9, %sign3A_15 : vector<1x2560xi32>
    %sign3A_17 = arith.extui %sign3A_16 : vector<1x2560xi1> to vector<1x2560xi32>
    %sign3A_18 = arith.subi %sign3A_13, %sign3A_17 : vector<1x2560xi32>
    %sign3A_19 = arith.constant 0 : i32
    %sign3A_20 = arith.cmpi sgt, %jit3A, %sign3A_19 : i32
    %sign3A_21 = arith.extui %sign3A_20 : i1 to i32
    %sign3A_22 = arith.constant 0 : i32
    %sign3A_23 = arith.cmpi slt, %jit3A, %sign3A_22 : i32
    %sign3A_24 = arith.extui %sign3A_23 : i1 to i32
    %sign3A_25 = arith.subi %sign3A_21, %sign3A_24 : i32
    %ne3A = vector.broadcast %sign3A_25 : i32 to vector<1x2560xi32>
    %ne3A_26 = arith.cmpi ne, %sign3A_18, %ne3A : vector<1x2560xi32>
    %rem3A = vector.broadcast %jit3A : i32 to vector<1x2560xi32>
    %rem3A_27 = arith.remsi %add3A_9, %rem3A : vector<1x2560xi32>
    %ne3A_28 = arith.constant 0 : i32
    %ne3A_29 = vector.broadcast %ne3A_28 : i32 to vector<1x2560xi32>
    %ne3A_30 = arith.cmpi ne, %rem3A_27, %ne3A_29 : vector<1x2560xi32>
    %and3A = arith.andi %ne3A_26, %ne3A_30 : vector<1x2560xi1>
    %sub3A = arith.constant 1 : i32
    %sub3A_31 = vector.broadcast %sub3A : i32 to vector<1x2560xi32>
    %sub3A_32 = arith.subi %div3A_10, %sub3A_31 : vector<1x2560xi32>
    %select_n3A = arith.select %and3A, %sub3A_32, %div3A_10 : vector<1x2560xi1>, vector<1x2560xi32>
    %broadcast_in_dim3A = arith.constant 0 : i32
    %broadcast_in_dim3A_33 = vector.broadcast %broadcast_in_dim3A : i32 to vector<4x2560xi32>
    %slice3A = vector.extract_strided_slice %reshape3A {offsets = [0, 0, 0], sizes = [4, 1, 1], strides = [1, 1, 1]} : vector<4x8x16xi32> to vector<4x1x1xi32>
    %squeeze3A = vector.shape_cast %slice3A : vector<4x1x1xi32> to vector<4x1xi32>
    %lt3A = arith.constant 0 : i32
    %lt3A_34 = vector.broadcast %lt3A : i32 to vector<1x2560xi32>
    %lt3A_35 = arith.cmpi slt, %select_n3A, %lt3A_34 : vector<1x2560xi32>
    %max3A = vector.broadcast %squeeze3A : vector<4x1xi32> to vector<4x2560xi32>
    %max3A_36 = arith.maxsi %broadcast_in_dim3A_33, %max3A : vector<4x2560xi32>
    %broadcast_in_dim3A_37 = vector.shape_cast %lt3A_35 : vector<1x2560xi1> to vector<1x2560xi1>
    %broadcast_in_dim3A_38 = vector.broadcast %broadcast_in_dim3A_37 : vector<1x2560xi1> to vector<4x2560xi1>
    %select_n3A_39 = arith.select %broadcast_in_dim3A_38, %max3A_36, %broadcast_in_dim3A_33 : vector<4x2560xi1>, vector<4x2560xi32>
    %slice3A_40 = vector.extract_strided_slice %reshape3A {offsets = [0, 1, 0], sizes = [4, 1, 1], strides = [1, 1, 1]} : vector<4x8x16xi32> to vector<4x1x1xi32>
    %squeeze3A_41 = vector.shape_cast %slice3A_40 : vector<4x1x1xi32> to vector<4x1xi32>
    %lt3A_42 = arith.constant 1 : i32
    %lt3A_43 = vector.broadcast %lt3A_42 : i32 to vector<1x2560xi32>
    %lt3A_44 = arith.cmpi slt, %select_n3A, %lt3A_43 : vector<1x2560xi32>
    %max3A_45 = vector.broadcast %squeeze3A_41 : vector<4x1xi32> to vector<4x2560xi32>
    %max3A_46 = arith.maxsi %select_n3A_39, %max3A_45 : vector<4x2560xi32>
    %broadcast_in_dim3A_47 = vector.shape_cast %lt3A_44 : vector<1x2560xi1> to vector<1x2560xi1>
    %broadcast_in_dim3A_48 = vector.broadcast %broadcast_in_dim3A_47 : vector<1x2560xi1> to vector<4x2560xi1>
    %select_n3A_49 = arith.select %broadcast_in_dim3A_48, %max3A_46, %select_n3A_39 : vector<4x2560xi1>, vector<4x2560xi32>
    %slice3A_50 = vector.extract_strided_slice %reshape3A {offsets = [0, 2, 0], sizes = [4, 1, 1], strides = [1, 1, 1]} : vector<4x8x16xi32> to vector<4x1x1xi32>
    %squeeze3A_51 = vector.shape_cast %slice3A_50 : vector<4x1x1xi32> to vector<4x1xi32>
    %lt3A_52 = arith.constant 2 : i32
    %lt3A_53 = vector.broadcast %lt3A_52 : i32 to vector<1x2560xi32>
    %lt3A_54 = arith.cmpi slt, %select_n3A, %lt3A_53 : vector<1x2560xi32>
    %max3A_55 = vector.broadcast %squeeze3A_51 : vector<4x1xi32> to vector<4x2560xi32>
    %max3A_56 = arith.maxsi %select_n3A_49, %max3A_55 : vector<4x2560xi32>
    %broadcast_in_dim3A_57 = vector.shape_cast %lt3A_54 : vector<1x2560xi1> to vector<1x2560xi1>
    %broadcast_in_dim3A_58 = vector.broadcast %broadcast_in_dim3A_57 : vector<1x2560xi1> to vector<4x2560xi1>
    %select_n3A_59 = arith.select %broadcast_in_dim3A_58, %max3A_56, %select_n3A_49 : vector<4x2560xi1>, vector<4x2560xi32>
    %slice3A_60 = vector.extract_strided_slice %reshape3A {offsets = [0, 3, 0], sizes = [4, 1, 1], strides = [1, 1, 1]} : vector<4x8x16xi32> to vector<4x1x1xi32>
    %squeeze3A_61 = vector.shape_cast %slice3A_60 : vector<4x1x1xi32> to vector<4x1xi32>
    %lt3A_62 = arith.constant 3 : i32
    %lt3A_63 = vector.broadcast %lt3A_62 : i32 to vector<1x2560xi32>
    %lt3A_64 = arith.cmpi slt, %select_n3A, %lt3A_63 : vector<1x2560xi32>
    %max3A_65 = vector.broadcast %squeeze3A_61 : vector<4x1xi32> to vector<4x2560xi32>
    %max3A_66 = arith.maxsi %select_n3A_59, %max3A_65 : vector<4x2560xi32>
    %broadcast_in_dim3A_67 = vector.shape_cast %lt3A_64 : vector<1x2560xi1> to vector<1x2560xi1>
    %broadcast_in_dim3A_68 = vector.broadcast %broadcast_in_dim3A_67 : vector<1x2560xi1> to vector<4x2560xi1>
    %select_n3A_69 = arith.select %broadcast_in_dim3A_68, %max3A_66, %select_n3A_59 : vector<4x2560xi1>, vector<4x2560xi32>
    %slice3A_70 = vector.extract_strided_slice %reshape3A {offsets = [0, 4, 0], sizes = [4, 1, 1], strides = [1, 1, 1]} : vector<4x8x16xi32> to vector<4x1x1xi32>
    %squeeze3A_71 = vector.shape_cast %slice3A_70 : vector<4x1x1xi32> to vector<4x1xi32>
    %lt3A_72 = arith.constant 4 : i32
    %lt3A_73 = vector.broadcast %lt3A_72 : i32 to vector<1x2560xi32>
    %lt3A_74 = arith.cmpi slt, %select_n3A, %lt3A_73 : vector<1x2560xi32>
    %max3A_75 = vector.broadcast %squeeze3A_71 : vector<4x1xi32> to vector<4x2560xi32>
    %max3A_76 = arith.maxsi %select_n3A_69, %max3A_75 : vector<4x2560xi32>
    %broadcast_in_dim3A_77 = vector.shape_cast %lt3A_74 : vector<1x2560xi1> to vector<1x2560xi1>
    %broadcast_in_dim3A_78 = vector.broadcast %broadcast_in_dim3A_77 : vector<1x2560xi1> to vector<4x2560xi1>
    %select_n3A_79 = arith.select %broadcast_in_dim3A_78, %max3A_76, %select_n3A_69 : vector<4x2560xi1>, vector<4x2560xi32>
    %slice3A_80 = vector.extract_strided_slice %reshape3A {offsets = [0, 5, 0], sizes = [4, 1, 1], strides = [1, 1, 1]} : vector<4x8x16xi32> to vector<4x1x1xi32>
    %squeeze3A_81 = vector.shape_cast %slice3A_80 : vector<4x1x1xi32> to vector<4x1xi32>
    %lt3A_82 = arith.constant 5 : i32
    %lt3A_83 = vector.broadcast %lt3A_82 : i32 to vector<1x2560xi32>
    %lt3A_84 = arith.cmpi slt, %select_n3A, %lt3A_83 : vector<1x2560xi32>
    %max3A_85 = vector.broadcast %squeeze3A_81 : vector<4x1xi32> to vector<4x2560xi32>
    %max3A_86 = arith.maxsi %select_n3A_79, %max3A_85 : vector<4x2560xi32>
    %broadcast_in_dim3A_87 = vector.shape_cast %lt3A_84 : vector<1x2560xi1> to vector<1x2560xi1>
    %broadcast_in_dim3A_88 = vector.broadcast %broadcast_in_dim3A_87 : vector<1x2560xi1> to vector<4x2560xi1>
    %select_n3A_89 = arith.select %broadcast_in_dim3A_88, %max3A_86, %select_n3A_79 : vector<4x2560xi1>, vector<4x2560xi32>
    %slice3A_90 = vector.extract_strided_slice %reshape3A {offsets = [0, 6, 0], sizes = [4, 1, 1], strides = [1, 1, 1]} : vector<4x8x16xi32> to vector<4x1x1xi32>
    %squeeze3A_91 = vector.shape_cast %slice3A_90 : vector<4x1x1xi32> to vector<4x1xi32>
    %lt3A_92 = arith.constant 6 : i32
    %lt3A_93 = vector.broadcast %lt3A_92 : i32 to vector<1x2560xi32>
    %lt3A_94 = arith.cmpi slt, %select_n3A, %lt3A_93 : vector<1x2560xi32>
    %max3A_95 = vector.broadcast %squeeze3A_91 : vector<4x1xi32> to vector<4x2560xi32>
    %max3A_96 = arith.maxsi %select_n3A_89, %max3A_95 : vector<4x2560xi32>
    %broadcast_in_dim3A_97 = vector.shape_cast %lt3A_94 : vector<1x2560xi1> to vector<1x2560xi1>
    %broadcast_in_dim3A_98 = vector.broadcast %broadcast_in_dim3A_97 : vector<1x2560xi1> to vector<4x2560xi1>
    %select_n3A_99 = arith.select %broadcast_in_dim3A_98, %max3A_96, %select_n3A_89 : vector<4x2560xi1>, vector<4x2560xi32>
    %slice3A_100 = vector.extract_strided_slice %reshape3A {offsets = [0, 7, 0], sizes = [4, 1, 1], strides = [1, 1, 1]} : vector<4x8x16xi32> to vector<4x1x1xi32>
    %squeeze3A_101 = vector.shape_cast %slice3A_100 : vector<4x1x1xi32> to vector<4x1xi32>
    %lt3A_102 = arith.constant 7 : i32
    %lt3A_103 = vector.broadcast %lt3A_102 : i32 to vector<1x2560xi32>
    %lt3A_104 = arith.cmpi slt, %select_n3A, %lt3A_103 : vector<1x2560xi32>
    %max3A_105 = vector.broadcast %squeeze3A_101 : vector<4x1xi32> to vector<4x2560xi32>
    %max3A_106 = arith.maxsi %select_n3A_99, %max3A_105 : vector<4x2560xi32>
    %broadcast_in_dim3A_107 = vector.shape_cast %lt3A_104 : vector<1x2560xi1> to vector<1x2560xi1>
    %broadcast_in_dim3A_108 = vector.broadcast %broadcast_in_dim3A_107 : vector<1x2560xi1> to vector<4x2560xi1>
    %select_n3A_109 = arith.select %broadcast_in_dim3A_108, %max3A_106, %select_n3A_99 : vector<4x2560xi1>, vector<4x2560xi32>
    %max3A_110 = arith.maxsi %get3A_4, %select_n3A_109 : vector<4x2560xi32>
    %and3A_111 = arith.constant 131071 : i32
    %and3A_112 = vector.broadcast %and3A_111 : i32 to vector<4x2560xi32>
    %and3A_113 = arith.andi %max3A_110, %and3A_112 : vector<4x2560xi32>
    %shift_left3A = arith.constant 14 : i32
    %shift_left3A_114 = vector.broadcast %shift_left3A : i32 to vector<4x2560xi32>
    %shift_left3A_115 = arith.shli %and3A_113, %shift_left3A_114 : vector<4x2560xi32>
    %bitcast_convert_type3A = tpu.bitcast %shift_left3A_115 : vector<4x2560xi32> -> vector<4x2560xf32>
    %get3A_116 = arith.constant 0 : index
    %get3A_117 = arith.constant 0 : index
    %get3A_118 = vector.load %arg2[%get3A_116, %get3A_117] : memref<4x2560xf32, #tpu.memory_space<vmem>>, vector<4x2560xf32>
    %max3A_119 = arith.maximumf %bitcast_convert_type3A, %get3A_118 : vector<4x2560xf32>
    %get3A_120 = arith.constant 0 : index
    %get3A_121 = arith.constant 0 : index
    %get3A_122 = vector.load %arg6[%get3A_120, %get3A_121] : memref<8x32xf32, #tpu.memory_space<vmem>>, vector<8x32xf32>
    %mul3A_123 = arith.mulf %get3A_122, %get3A_122 : vector<8x32xf32>
    %reduce_sum3A = arith.constant dense<0.000000e+00> : vector<8xf32>
    %reduce_sum3A_124 = vector.multi_reduction <add>, %mul3A_123, %reduce_sum3A [1] : vector<8x32xf32> to vector<8xf32>
    %broadcast_in_dim3A_125 = vector.shape_cast %reduce_sum3A_124 : vector<8xf32> to vector<8x1xf32>
    %slice3A_126 = vector.extract_strided_slice %broadcast_in_dim3A_125 {offsets = [0, 0], sizes = [4, 1], strides = [1, 1]} : vector<8x1xf32> to vector<4x1xf32>
    %slice3A_127 = vector.extract_strided_slice %broadcast_in_dim3A_125 {offsets = [4, 0], sizes = [4, 1], strides = [1, 1]} : vector<8x1xf32> to vector<4x1xf32>
    %add3A_128 = arith.addf %slice3A_126, %slice3A_127 : vector<4x1xf32>
    %sqrt3A = math.sqrt %add3A_128 : vector<4x1xf32>
    %mul3A_129 = arith.constant 4.000000e+00 : f32
    %mul3A_130 = vector.broadcast %mul3A_129 : f32 to vector<4x1xf32>
    %mul3A_131 = arith.mulf %mul3A_130, %sqrt3A : vector<4x1xf32>
    %get3A_132 = arith.constant 0 : index
    %get3A_133 = arith.constant 0 : index
    %get3A_134 = vector.load %arg5[%get3A_132, %get3A_133] : memref<4x2560xf32, #tpu.memory_space<vmem>>, vector<4x2560xf32>
    %add3A_135 = arith.addf %max3A_119, %get3A_1 : vector<4x2560xf32>
    %sqrt3A_136 = math.sqrt %add3A_135 : vector<4x2560xf32>
    %mul3A_137 = vector.broadcast %mul3A_131 : vector<4x1xf32> to vector<4x2560xf32>
    %mul3A_138 = arith.mulf %mul3A_137, %sqrt3A_136 : vector<4x2560xf32>
    %add3A_139 = arith.constant 9.99999996E-13 : f32
    %add3A_140 = vector.broadcast %add3A_139 : f32 to vector<4x2560xf32>
    %add3A_141 = arith.addf %mul3A_138, %add3A_140 : vector<4x2560xf32>
    %div3A_142 = arith.divf %get3A_134, %add3A_141 : vector<4x2560xf32>
    %swap3A = arith.constant 0 : index
    %swap3A_143 = arith.constant 0 : index
    %swap3A_144 = vector.load %arg7[%swap3A, %swap3A_143] : memref<4x2560xf32, #tpu.memory_space<vmem>>, vector<4x2560xf32>
    tpu.vector_store %arg7[%swap3A, %swap3A_143], %div3A_142 {strides = array<i32>} : memref<4x2560xf32, #tpu.memory_space<vmem>>, vector<4x2560xf32>,
    return
  }
  func.func @transform_0(%arg0: i32) -> (i32, i32) {
    %c0_i32 = arith.constant 0 : i32
    %c0_i32_0 = arith.constant 0 : i32
    return %c0_i32, %arg0 : i32, i32
  }
  func.func @transform_1(%arg0: i32) -> (i32, i32) {
    %c0_i32 = arith.constant 0 : i32
    %c0_i32_0 = arith.constant 0 : i32
    return %c0_i32, %arg0 : i32, i32
  }
  func.func @transform_2(%arg0: i32) -> (i32, i32) {
    %c0_i32 = arith.constant 0 : i32
    %c0_i32_0 = arith.constant 0 : i32
    return %c0_i32, %arg0 : i32, i32
  }
  func.func @transform_3(%arg0: i32) -> (i32, i32) {
    %c0_i32 = arith.constant 0 : i32
    %c0_i32_0 = arith.constant 0 : i32
    %c0_i32_1 = arith.constant 0 : i32
    return %c0_i32, %c0_i32_0 : i32, i32
  }
  func.func @transform_4(%arg0: i32) -> (i32, i32) {
    %c0_i32 = arith.constant 0 : i32
    %c0_i32_0 = arith.constant 0 : i32
    return %c0_i32, %arg0 : i32, i32
  }
  func.func @transform_5(%arg0: i32) -> (i32, i32) {
    %c0_i32 = arith.constant 0 : i32
    %c0_i32_0 = arith.constant 0 : i32
    %c0_i32_1 = arith.constant 0 : i32
    return %c0_i32, %c0_i32_0 : i32, i32
  }
  func.func @transform_6(%arg0: i32) -> (i32, i32) {
    %c0_i32 = arith.constant 0 : i32
    %c0_i32_0 = arith.constant 0 : i32
    return %c0_i32, %arg0 : i32, i32
  }
}

</mosaic_0001>

<sc_bundles>
// kernel: kernel.5.cloned.1.call-start
scs
__scs_entry_jumppad:
0x0: {  	(pc) =	sbr.rel $0x88, $3  }
0x1: {  	(tag) =	ssettag $0x0;
	lr =	simm.s32 $0x1  }
0x2: {  	[smem:$0x3F9D] =	sst lr;
	_ =	strace $0xD0000000  }
0x3: {  	_ = 	snop  }
0x4: {  	_ = 	snop  }
0x5: {  	_ = 	snop  }
0x6: {  	_ = 	snop  }
0x7: {  	_ = 	snop  }
__scs_overlays_trampoline_lowered:
0x8: {  	[smem:$0x3FAC] =	sst s0  }
0x9: {  	[smem:$0x3FAD] =	sst s1  }
0xa: {  	[smem:$0x3FAE] =	sst s2  }
0xb: {  	[smem:$0x3FAF] =	sst s3  }
0xc: {  	[smem:$0x3FB0] =	sst s4  }
0xd: {  	[smem:$0x3FB1] =	sst s5  }
0xe: {  	[smem:$0x3FB2] =	sst s6  }
0xf: {  	[smem:$0x3FB3] =	sst s7  }
0x10: {  	[smem:$0x3FB4] =	sst s8  }
0x11: {  	[smem:$0x3FB5] =	sst s9;
	s0 =	simm.s32 @!p0 $0x0  }
0x12: {  	s1 =	sld [smem:$0x3F9B];
	s0 =	simm.s32 @p0 $0x1  }
0x13: {  	[smem:$0x3FB6] =	sst s0;
	s0 =	simm.s32 @!p1 $0x0  }
0x14: {  	s2 =	sld [smem:$0x3F9A];
	s0 =	simm.s32 @p1 $0x1  }
0x15: {  	[smem:$0x3FB7] =	sst s0;
	s0 =	simm.s32 @!p2 $0x0  }
0x16: {  	s3 =	sld [smem:$0x3FDB];
	s0 =	simm.s32 @p2 $0x1  }
0x17: {  	s4 =	simm.s32 $0x1BF5;
	[smem:$0x3FB9] =	sst s0  }
0x18: {  	s0 =	sld [smem:$0x3F9C];
	_ =	swait.ge [sflag:s4], $0x0  }
0x19: {  	s7 =	sld [smem:$0x3F9D]  }
0x1a: {  	s8 =	sadd.s32 $0xFFFFE003, lr  }
0x1b: {  	s9 =	sadd.s32 $0xFFFFFEF7, lr;
	s5 =	simm.s32 $0xFFFFFFFF;
	p2 =	slt.u32 s8, $0xFFFFF086  }
0x1c: {  	p1 =	slt.u32 s9, $0xF7A;
	s5 =	simm.s32 @!p2 $0x0  }
0x1d: {  	s5 =	simm.s32 @p1 $0x1;
	p0 =	seq.s32 s7, s2  }
0x1e: {  	s7 =	smul.u32 @!p0 $0xF7A, s2;
	p2 =	seq.s32 @!p0 s5, $0x0  }
0x1f: {  	s9 =	smul.u32 $0xF7A, s1;
	s8 =	simm.s32 @!p0 $0x1BF5;
	p2 =	por !p2, p0  }
0x20: {  	[sflag:s8] =	ssyncset.s32 @!p0 $0xFFFFF086;
	s6 =	sadd.s32 @!p0 s3, s7;
	s7 =	simm.s32 @!p0 $0x108  }
0x21: {  	s3 =	sadd.s32 s3, s9;
	s6 =	sadd.s32 @!p0 $0x88, s6;
	s7 =	simm.s32 @p2 $0x1082  }
0x22: {  	[simem:s7], [sflag:s8] =	dma.local @!p0 [hbm:s6], $0xF7A  }
0x23: {  	s9 =	sor.u32 $0xD0000000, s2;
	s6 =	simm.s32 $0x108;
	_ =	swait.ge @!p0 [sflag:s8], $0x0  }
0x24: {  	s3 =	sadd.s32 $0x88, s3;
	s6 =	simm.s32 @!p1 $0x1082;
	[sflag:s4] =	ssyncset.s32 $0xFFFFF086  }
0x25: {  	[simem:s6], [sflag:s4] =	dma.local [hbm:s3], $0xF7A  }
0x26: {  	[smem:$0x3F9D] =	sst s1;
	(tag) =	ssettag s2;
	_ =	strace s9  }
0x27: {  	s1 =	sld [smem:$0x3FAD]  }
0x28: {  	s2 =	sld [smem:$0x3FAE]  }
0x29: {  	s4 =	sld [smem:$0x3FB0]  }
0x2a: {  	p0 =	seq.s32 s5, $0x0;
	s5 =	sld [smem:$0x3FB1]  }
0x2b: {  	s6 =	sld [smem:$0x3FB2]  }
0x2c: {  	s7 =	sld [smem:$0x3FB3]  }
0x2d: {  	s3 =	simm.s32 $0x108;
	s8 =	sld [smem:$0x3FB4]  }
0x2e: {  	s3 =	simm.s32 @!p0 $0x1082;
	s9 =	sld [smem:$0x3FB5]  }
0x2f: {  	lr =	sadd.s32 s0, s3;
	s0 =	sld [smem:$0x3FAC]  }
0x30: {  	s3 =	sld [smem:$0x3FAF]  }
0x31: {  	[smem:$0x3FB8] =	sst s10  }
0x32: {  	s10 =	sld [smem:$0x3FB6];
	_ =	sdelay $0x3  }
0x33: {  	p0 =	seq.s32 s10, $0x1;
	s10 =	sld [smem:$0x3FB8];
	_ =	sdelay $0x3  }
0x34: {  	[smem:$0x3FB8] =	sst s10  }
0x35: {  	s10 =	sld [smem:$0x3FB7];
	_ =	sdelay $0x3  }
0x36: {  	p1 =	seq.s32 s10, $0x1;
	s10 =	sld [smem:$0x3FB8];
	_ =	sdelay $0x3  }
0x37: {  	[smem:$0x3FB8] =	sst s10  }
0x38: {  	s10 =	sld [smem:$0x3FB9]  }
0x39: {  	_ = 	snop;
	(pc) =	sbr.ind lr, $3  }
0x3a: {  	_ = 	snop  }
0x3b: {  	_ = 	snop  }
0x3c: {  	p2 =	seq.s32 s10, $0x1;
	s10 =	sld [smem:$0x3FB8]  }
0x3d: {  	_ =	shalt  }
0x3e: {  	_ =	shalt  }
0x3f: {  	_ =	shalt  }
0x40: {  	_ =	shalt  }
0x41: {  	_ =	shalt  }
0x42: {  	_ =	shalt  }
0x43: {  	_ =	shalt  }
0x44: {  	_ =	shalt  }
0x45: {  	_ =	shalt  }
0x46: {  	_ =	shalt  }
0x47: {  	_ =	shalt  }
0x48: {  	_ =	shalt  }
0x49: {  	_ =	shalt  }
0x4a: {  	_ =	shalt  }
0x4b: {  	_ =	shalt  }
0x4c: {  	_ =	shalt  }
0x4d: {  	_ =	shalt  }
0x4e: {  	_ =	shalt  }
0x4f: {  	_ =	shalt  }
0x50: {  	_ =	shalt  }
0x51: {  	_ =	shalt  }
0x52: {  	_ =	shalt  }
0x53: {  	_ =	shalt  }
0x54: {  	_ =	shalt  }
0x55: {  	_ =	shalt  }
0x56: {  	_ =	shalt  }
0x57: {  	_ =	shalt  }
0x58: {  	_ =	shalt  }
0x59: {  	_ =	shalt  }
0x5a: {  	_ =	shalt  }
0x5b: {  	_ =	shalt  }
0x5c: {  	_ =	shalt  }
0x5d: {  	_ =	shalt  }
0x5e: {  	_ =	shalt  }
0x5f: {  	_ =	shalt  }
0x60: {  	_ =	shalt  }
0x61: {  	_ =	shalt  }
0x62: {  	_ =	shalt  }
0x63: {  	_ =	shalt  }
0x64: {  	_ =	shalt  }
0x65: {  	_ =	shalt  }
0x66: {  	_ =	shalt  }
0x67: {  	_ =	shalt  }
0x68: {  	_ =	shalt  }
0x69: {  	_ =	shalt  }
0x6a: {  	_ =	shalt  }
0x6b: {  	_ =	shalt  }
0x6c: {  	_ =	shalt  }
0x6d: {  	_ =	shalt  }
0x6e: {  	_ =	shalt  }
0x6f: {  	_ =	shalt  }
0x70: {  	_ =	shalt  }
0x71: {  	_ =	shalt  }
0x72: {  	_ =	shalt  }
0x73: {  	_ =	shalt  }
0x74: {  	_ =	shalt  }
0x75: {  	_ =	shalt  }
0x76: {  	_ =	shalt  }
0x77: {  	_ =	shalt  }
0x78: {  	_ =	shalt  }
0x79: {  	_ =	shalt  }
0x7a: {  	_ =	shalt  }
0x7b: {  	_ =	shalt  }
0x7c: {  	_ =	shalt  }
0x7d: {  	_ =	shalt  }
0x7e: {  	_ =	shalt  }
0x7f: {  	_ =	shalt  }
0x80: {  	_ =	shalt  }
0x81: {  	_ =	shalt  }
0x82: {  	_ =	shalt  }
0x83: {  	_ =	shalt  }
0x84: {  	_ =	shalt  }
0x85: {  	_ =	shalt  }
0x86: {  	_ =	shalt  }
0x87: {  	_ =	shalt  }
.Lfunc_end0:
.L_simem_size_0:
called_computation_lowered:
.L_overlay_start_0:
0x88: {  	s2 =	sld [smem:$0x3FD9]  }
0x89: {  	s3 =	sld [smem:$0x3FFE];
	_ =	sdelay $0x1  }
0x8a: {  	s1 =	srdreg.scid  }
0x8b: {  	s0 =	sand.u32 $0x1, s1  }
0x8c: {  	s17 =	sshll.u32 s0, $0xA;
	s2 =	sadd.s32 s3, s2  }
0x8d: {  	s2 =	sadd.s32 s2, s17  }
0x8e: {  	[smem:$0x3FC4] =	sst s2  }
0x8f: {  	_ = 	snop  }
0x90: {  	s2 =	sld [smem:$0x3FD0];
	(tm) =	ssettm $0x1  }
0x91: {  	s18 =	sld [smem:$0x3FFB];
	_ =	sdelay $0x3  }
0x92: {  	_ =	strace s18  }
0x93: {  	s3 =	sld [smem:$0x3FFC];
	_ =	sdelay $0x3  }
0x94: {  	_ =	strace s3  }
0x95: {  	s3 =	sld [smem:$0x3FFD];
	_ =	sdelay $0x3  }
0x96: {  	_ =	strace s3  }
0x97: {  	_ =	strace $0x8FFFFFFF  }
0x98: {  	s19 =	sld [smem:$0x3FDB];
	_ =	sdelay $0x1  }
0x99: {  	s4 =	simm.s32 $_scs_section_size  }
0x9a: {  	s5 =	simm.s32 $_size__tile_overlayer_lowered;
	s6 =	simm.s32 $_tile_overlayer_lowered  }
0x9b: {  	s22 =	simm.s32 $0x1BFF;
	s21 =	sshll.u32 s6, $0x1;
	s3 =	sadd.s32 s4, s19  }
0x9c: {  	s7 =	simm.s32 $0x0;
	s20 =	sshll.u32 s5, $0x1;
	s5 =	sadd.s32 s21, s3  }
0x9d: {  	[timem:s7], [sflag:s22] =	dma.local [hbm:s5], s20  }
0x9e: {  	_ =	swait.ge [sflag:s22], s20  }
0x9f: {  	s4 =	ssub.s32 $0x0, s20;
	[sflag:s22] =	ssyncset.done $0x0  }
0xa0: {  	[sflag:s22] =	ssyncadd.s32 s4;
	_ =	sdelay $0x1  }
0xa1: {  	s23 =	simm.s32 $0x1B8B  }
0xa2: {  	_ =	swait.ge [sflag:s23], $0x1  }
0xa3: {  	[sflag:s23] =	ssyncset.done $0x0  }
0xa4: {  	s25 =	simm.s32 $0x1B8E;
	s24 =	sld [smem:$0x3FFE];
	[sflag:s23] =	ssyncadd.s32 $0xFFFFFFFF  }
0xa5: {  	s26 =	simm.s32 $execute0_lowered;
	[smem:$0x3FD2] =	sst s25  }
0xa6: {  	s5 =	sshll.u32 s26, $0x1;
	_ =	strace $0x80000046;
	[dreg:$0x1] =	wrdreg $0xFFFFFFFF  }
0xa7: {  	s28 =	simm.s32 $_size_execute0_lowered;
	s3 =	sadd.s32 s3, s5;
	[dreg:$0x0] =	wrdreg $0x0  }
0xa8: {  	s5 =	sshll.u32 s28, $0x1;
	[dreg:$0x2] =	wrdreg s3  }
0xa9: {  	[dreg:$0x3] =	wrdreg s5  }
0xaa: {  	[dreg:$0x4] =	wrdreg $0xC0  }
0xab: {  	_ =	task [dreg:s7], $0x5FFFF  }
0xac: {  	[dreg:$0x1] =	wrdreg $0xFFFFFFFF  }
0xad: {  	[dreg:$0x0] =	wrdreg $0x60  }
0xae: {  	[dreg:$0x2] =	wrdreg s2  }
0xaf: {  	[dreg:$0x3] =	wrdreg s24  }
0xb0: {  	[dreg:$0x4] =	wrdreg $0x9  }
0xb1: {  	_ =	task.clear_ibuf [dreg:s7], $0x5FFFF;
	_ =	strace $0x90000046  }
0xb2: {  	s29 =	simm.s32 $0x9;
	_ =	strace $0x80000048  }
0xb3: {  	_ =	swait.ge [sflag:s29], $0x1  }
0xb4: {  	[sflag:s29] =	ssyncadd.s32 $0xFFFFFFFF  }
0xb5: {  	_ =	strace $0x90000048  }
0xb6: {  	_ =	sfence  }
0xb7: {  	s30 =	sld [smem:$0x0];
	_ =	sdelay $0x2  }
0xb8: {  	s31 =	sshll.u32 s1, $0xD;
	s1 =	sshrl.u32 s1, $0x2  }
0xb9: {  	s3 =	sand.u32 $0x4000, s31;
	s1 =	sadd.s32 s1, s30  }
0xba: {  	s0 =	sor.u32 s3, s0;
	s1 =	sshll.u32 s1, $0x11  }
0xbb: {  	s0 =	sor.u32 s1, s0  }
0xbc: {  	s0 =	sadd.s32 $0x8F2B, s0  }
0xbd: {  	[sflag:s0] =	ssyncadd.remote.s32 $0x1  }
0xbe: {  	_ =	sfence.sel $0xFFFF  }
0xbf: {  	[dreg:$0x0] =	wrdreg $0xFFFFFFFF;
	(pc) =	sbr.abs _section_cstart, $3  }
0xc0: {  	[dreg:$0x1] =	wrdreg $0xFFFFFFFF  }
0xc1: {  	_ =	task.clear_ibuf [dreg:s7], $0x2FFFF;
	_ =	strace $0x9FFFFFFF  }
0xc2: {  	(tm) =	ssettm $0x7FFFFFFF  }
0xc3: {  	_ =	shalt  }
tec
execute0_lowered:
.L_overlay_start_1:
0x0: {  	(tag) =	ssettag $0x1  }
0x1: {  	v0 =	vimm.s32 $0xFFEDCBA9  }
0x2: {  	s3 =	rddreg [dreg:$0x0];
	v1 =	vimm.s32 $0x87654321;
	s1 =	srdreg.scid;
	v2 =	vimm.s32 $0xFFFEDCBA;
	v3 =	vimm.s32 $0xBA987654  }
0x3: {  	s0 =	stileid.u32;
	s4 =	rddreg [dreg:$0x1];
	s2 =	simm.s32 $0x0;
	v4 =	vimm.s32 $0x98765432;
	v5 =	vimm.s32 $0xFEDCBA98;
	v6 =	vimm.s32 $0xF0E0D0C  }
0x4: {  	vm0 =	vcmask $0x1F00;
	v0 =	vunpack.c.l.s4.s8 v0;
	v1 =	vunpack.c.l.s4.s8 v1;
	s5 =	sand.u32 $0x1, s1;
	s6 =	sshll.u32 s0, $0x1;
	s1 =	rddreg [dreg:$0x2]  }
0x5: {  	v2 =	vunpack.c.l.s4.s8 v2;
	v3 =	vunpack.c.l.s4.s8 v3;
	[smem:$0x7FF] =	sst s2;
	v4 =	vunpack.c.l.s4.s8 v4;
	s6 =	sor.u32 s5, s6  }
0x6: {  	v5 =	vunpack.c.l.s4.s8 v5;
	s5 =	ssub.s32 $0x2, s5;
	v0 =	vunpack.c.0.s8.s32 v0;
	v1 =	vunpack.c.0.s8.s32 v1;
	s7 =	smul.u32 $0x1388, s6;
	s6 =	sshll.u32 s6, $0x1  }
0x7: {  	_ =	strace $0x80000047;
	v2 =	vunpack.c.0.s8.s32 v2;
	v3 =	vunpack.c.0.s8.s32 v3;
	s9 =	sshrl.u32 s5, $0x1;
	v4 =	vunpack.c.0.s8.s32 v4;
	s6 =	sadd.s32 s6, s4  }
0x8: {  	vm1 =	vcmask $0x2F20;
	v6 =	vunpack.c.0.s8.s32 v6;
	v5 =	vunpack.c.0.s8.s32 v5;
	s9 =	ssub.s32 s5, s9;
	s8 =	sadd.s32 s7, s4;
	s3 =	sadd.s32 s3, s7  }
0x9: {  	v3 =	vnsel vm0, $0xF, v3;
	v0 =	vcombine.low v1, v0;
	s5 =	sadd.s32 $0x28A00, s6;
	s6 =	smax.u32 s9, $0x1;
	s7 =	simm.s32 $0x1;
	v2 =	vcombine.low v4, v2  }
0xa: {  	v4 =	vimm.s32 $0x0;
	s9 =	simm.s32 $0x0;
	v1 =	vsel vm1, v6, v3;
	s4 =	sadd.s32 $0x1800, s8;
	v3 =	vnsel vm0, $0xF, v5;
	s8 =	simm.s32 $0x9C80  }
.LBB2_1:
0xb: {  	[tilespmem:s2], [sflag:$0x1] =	stream.linear.gather [hbm4b:s3+s2], $0x9C40, $0x38;
	[tilespmem:$0x9D00] =	vst v63  }
0xc: {  	_ =	swait.ge [sflag:s7], $0x9C40  }
0xd: {  	[sflag:s7] =	ssyncset.done $0x0  }
0xe: {  	s10 =	simm.s32 $0x9C30;
	s11 =	simm.s32 $0x27080;
	v5 =	vimm.s32 $0x0;
	[sflag:s7] =	ssyncadd.s32 $0xFFFF63C0  }
.LBB2_2:
0xf: {  	p0 =	sne.s32 s11, $0x0;
	v6 =	vld [tilespmem:s10+$0x0];
	_ =	sdelay $0x4  }
0x10: {  	v7 =	vperm.xlane v6, v0;
	_ =	sdelay $0x1  }
0x11: {  	vm0 =	vgt.s32 v6, v7  }
0x12: {  	v6 =	vsel vm0, v6, v7  }
0x13: {  	v7 =	vperm.xlane v6, v2;
	_ =	sdelay $0x1  }
0x14: {  	vm0 =	vgt.s32 v6, v7  }
0x15: {  	v6 =	vsel vm0, v6, v7  }
0x16: {  	v7 =	vperm.xlane v6, v1;
	_ =	sdelay $0x1  }
0x17: {  	vm0 =	vgt.s32 v6, v7  }
0x18: {  	v6 =	vsel vm0, v6, v7  }
0x19: {  	v7 =	vperm.xlane v6, v3;
	_ =	sdelay $0x1  }
.Ltmp0:
0x1a: {  	vm0 =	vgt.s32 v6, v7;
	(pc) =	sbr.rel @p0 .LBB2_2-.Ltmp0, $4  }
0x1b: {  	v6 =	vsel vm0, v6, v7  }
0x1c: {  	vm0 =	vgt.s32 v6, v5  }
0x1d: {  	v5 =	vsel vm0, v6, v5  }
0x1e: {  	[tilespmem:s10+$0x0] =	vst v5;
	s10 =	sshra.s32 s11, $0x2;
	s11 =	sadd.s32 $0xFFFFFFC0, s11;
	v5 =	vperm.xlane v5, v4  }
0x1f: {  	v6 =	vld [tilespmem:s10+$0x0];
	_ =	sdelay $0x4  }
0x20: {  	v7 =	vperm.xlane v6, v0;
	_ =	sdelay $0x1  }
0x21: {  	vm0 =	vgt.s32 v6, v7  }
0x22: {  	v6 =	vsel vm0, v6, v7  }
0x23: {  	v7 =	vperm.xlane v6, v2;
	_ =	sdelay $0x1  }
0x24: {  	vm0 =	vgt.s32 v6, v7  }
0x25: {  	v6 =	vsel vm0, v6, v7  }
0x26: {  	v7 =	vperm.xlane v6, v1;
	_ =	sdelay $0x1  }
0x27: {  	vm0 =	vgt.s32 v6, v7  }
0x28: {  	v6 =	vsel vm0, v6, v7  }
0x29: {  	v7 =	vperm.xlane v6, v3;
	_ =	sdelay $0x1  }
0x2a: {  	vm0 =	vgt.s32 v6, v7  }
0x2b: {  	v6 =	vsel vm0, v6, v7  }
0x2c: {  	vm0 =	vgt.s32 v6, v5  }
0x2d: {  	v5 =	vsel vm0, v6, v5  }
0x2e: {  	v6 =	vperm.xlane v5, v4  }
0x2f: {  	[tilespmem:s10+$0x0] =	vst v5  }
0x30: {  	[tilespmem:$0x9C80] =	vst v6  }
0x31: {  	[hbm4b:s4+s2] =	stream.linear.scatter [tilespmem:s2], [sflag:$0x1], $0x9C40, $0x38;
	[tilespmem:$0x9D00] =	vst v63  }
0x32: {  	s9 =	sadd.s32 $0x1, s9;
	_ =	swait.ge [sflag:s7], $0x9C40  }
0x33: {  	p0 =	sne.s32 s9, s6;
	[sflag:s7] =	ssyncset.done $0x0  }
.Ltmp1:
0x34: {  	[sflag:s7] =	ssyncadd.s32 $0xFFFF63C0;
	(pc) =	sbr.rel @p0 .LBB2_1-.Ltmp1, $4  }
0x35: {  	[hbm4b:s5+s2] =	stream.linear.scatter [tilespmem:s8], [sflag:$0x1], $0x10, $0x38;
	[tilespmem:$0x9D00] =	vst v63  }
0x36: {  	_ =	swait.ge [sflag:s7], $0x10  }
0x37: {  	[sflag:s7] =	ssyncset.done $0x0  }
0x38: {  	[sflag:s7] =	ssyncadd.s32 $0xFFFFFFF0  }
0x39: {  	_ =	sfence.sel $0x180000  }
0x3a: {  	[bflag:$0x0] =	sbarrier.arrive $0xFFFF  }
0x3b: {  	p0 =	sne.s32 s0, $0x0;
	_ =	strace $0x90000047  }
0x3c: {  	s0 =	sadd.s32 @!p0 $0x100000, s1;
	[bflag:$0x2] =	sbarrier.arrive $0xFFFF  }
0x3d: {  	[sflag:s0] =	ssyncadd.tile.s32 @!p0 $0x1;
	_ =	shalt  }
.Lfunc_end2:
_tile_overlayer_lowered:
.L_overlay_start_2:
0x3e: {  	(tag) =	ssettag $0x2  }
0x3f: {  	s0 =	rddreg [dreg:$0x0];
	s2 =	stileid.u32  }
0x40: {  	s1 =	rddreg [dreg:$0x1];
	p0 =	sne.s32 s2, $0x0  }
0x41: {  	s3 =	rddreg [dreg:$0x2];
	[bflag:$0x3] =	sbarrier.arrive $0xFFFF;
	s2 =	simm.s32 @!p0 $0x1C01  }
0x42: {  	[timem:s3], [sflag:s2] =	dma.local @!p0 [hbm:s0], s1  }
0x43: {  	s0 =	simm.s32 @!p0 $0x1  }
0x44: {  	_ =	swait.ge @!p0 [sflag:s0], s1  }
0x45: {  	s1 =	ssub.s32 @!p0 $0x0, s1;
	[sflag:s0] =	ssyncset.done @!p0 $0x0  }
0x46: {  	[sflag:s0] =	ssyncadd.s32 @!p0 s1  }
0x47: {  	[bflag:$0x3] =	sbarrier.arrive $0xFFFF  }
0x48: {  	_ =	shalt  }

</sc_bundles>
